<compile_context>
chip_gen: v7x
topology: tpu7x:2x2x1
jax: 0.10.2.dev20260603
libtpu: 0.0.44.dev20260713+nightly
codegen_flags: <defaults>
</compile_context>

<pallas_src>
import functools

import jax
import jax.numpy as jnp
from jax import lax
from jax.experimental import pallas as pl
from jax.experimental.pallas import tpu as pltpu
from jax.experimental.pallas import tpu_sc as plsc

_N = 10000
_E = 320000
_H = 128
_MSG = 64

_NC = 2
_NS = 16
_CH = 80
_EPS = _E // _NC
_EPW = _E // (_NC * _NS)
_NCHUNK = _EPW // _CH
_NPAD = 10240
_RPS = _NPAD // _NS
_ZR = 128
_W = 128


def _stage1_body(feat_ref, h_ref, wa_ref, wb_ref, bd_ref, r_ref):
    r_ref[...] = (
        jnp.dot(feat_ref[...], wa_ref[...], preferred_element_type=jnp.float32)
        + jnp.dot(h_ref[...], wb_ref[...], preferred_element_type=jnp.float32)
        + bd_ref[...]
    )


def _stage1(feat, h, wa, wb, bd):
    blk = 2000
    grid = (_N // blk,)
    return pl.pallas_call(
        _stage1_body,
        grid=grid,
        in_specs=[
            pl.BlockSpec((blk, _H), lambda i: (i, 0)),
            pl.BlockSpec((blk, _H), lambda i: (i, 0)),
            pl.BlockSpec((_H, _W), lambda i: (0, 0)),
            pl.BlockSpec((_H, _W), lambda i: (0, 0)),
            pl.BlockSpec((1, _W), lambda i: (0, 0)),
        ],
        out_specs=pl.BlockSpec((blk, _W), lambda i: (i, 0)),
        out_shape=jax.ShapeDtypeStruct((_N, _W), jnp.float32),
    )(feat, h, wa, wb, bd)


def _sc_body(r_hbm, src_hbm, dst_hbm, gd_hbm, out_hbm,
             srcb, dstb, rows, gdb, vals, zb, sem, shared):
    return
    cid = lax.axis_index("c")
    sid = lax.axis_index("s")

    zero16 = jnp.zeros((16,), jnp.float32)

    def _zb_row(i, carry):
        for j in range(_W // 16):
            zb[i, pl.ds(16 * j, 16)] = zero16
        return carry
    lax.fori_loop(0, _ZR, _zb_row, 0)
    for j in range(_RPS // _ZR):
        pltpu.sync_copy(zb, shared.at[pl.ds(sid * _RPS + j * _ZR, _ZR)])

    plsc.subcore_barrier()

    def _chunk(k, carry):
        base = cid * _EPS + sid * _EPW + k * _CH
        pltpu.sync_copy(src_hbm.at[pl.ds(base, _CH)], srcb)
        pltpu.sync_copy(dst_hbm.at[pl.ds(base, _CH)], dstb)
        pltpu.sync_copy(gd_hbm.at[pl.ds(base, _CH)], gdb)
        pltpu.async_copy(r_hbm.at[srcb], rows, sem).wait()

        def _edge(e, c2):
            for j in range(_MSG // 16):
                rv = rows[e, pl.ds(16 * j, 16)]
                gv = gdb[e, pl.ds(16 * j, 16)]
                d = rv + gv
                vals[e, pl.ds(16 * j, 16)] = jnp.where(d >= 0.0, 1.0, 0.0)
                vals[e, pl.ds(_MSG + 16 * j, 16)] = jnp.where(d >= 0.0, 0.0, 1.0)
            return c2
        lax.fori_loop(0, _CH, _edge, 0)

        pltpu.sync_copy(vals, shared.at[dstb], add=True)
        return carry
    lax.fori_loop(0, 0, _chunk, 0)

    plsc.subcore_barrier()

    pltpu.sync_copy(shared.at[pl.ds(sid * _RPS, _RPS)],
                    out_hbm.at[cid, pl.ds(sid * _RPS, _RPS)])


def _stage2(r, src, dst, gd):
    mesh = plsc.VectorSubcoreMesh(core_axis_name="c", subcore_axis_name="s",
                                  num_cores=_NC, num_subcores=_NS)
    f = pl.kernel(
        _sc_body,
        out_type=jax.ShapeDtypeStruct((_NC, _NPAD, _W), jnp.float32),
        mesh=mesh,
        scratch_types=[
            pltpu.VMEM((_CH,), jnp.int32),
            pltpu.VMEM((_CH,), jnp.int32),
            pltpu.VMEM((_CH, _W), jnp.float32),
            pltpu.VMEM((_CH, _MSG), jnp.float32),
            pltpu.VMEM((_CH, _W), jnp.float32),
            pltpu.VMEM((_ZR, _W), jnp.float32),
            pltpu.SemaphoreType.DMA,
            pltpu.VMEM_SHARED((_NPAD, _W), jnp.float32),
        ],
    )
    return f(r, src, dst, gd)


def _stage3_body(p_ref, feat_ref, h_ref, wp_ref, wn_ref, bdec_ref,
                 wx_ref, wd_ref, bih_ref, whh_ref, bhh_ref, out_ref):
    s = p_ref[0] + p_ref[1]
    pos = jnp.where(s[:, :_MSG] > 0.0, 1.0, 0.0)
    neg = jnp.where(s[:, _MSG:] > 0.0, 1.0, 0.0)
    dec = (
        jnp.dot(pos, wp_ref[...], preferred_element_type=jnp.float32)
        + jnp.dot(neg, wn_ref[...], preferred_element_type=jnp.float32)
        + bdec_ref[...]
    )
    gi = (
        jnp.dot(feat_ref[...], wx_ref[...], preferred_element_type=jnp.float32)
        + jnp.dot(dec, wd_ref[...], preferred_element_type=jnp.float32)
        + bih_ref[...]
    )
    gh = jnp.dot(h_ref[...], whh_ref[...], preferred_element_type=jnp.float32) + bhh_ref[...]
    r = jax.nn.sigmoid(gi[:, :_H] + gh[:, :_H])
    z = jax.nn.sigmoid(gi[:, _H:2 * _H] + gh[:, _H:2 * _H])
    n = jnp.tanh(gi[:, 2 * _H:] + r * gh[:, 2 * _H:])
    out_ref[...] = (1.0 - z) * n + z * h_ref[...]


def _stage3(partials, feat, h, wp, wn, bdec, wx, wd, bih, whh, bhh):
    blk = 2000
    grid = (_N // blk,)
    return pl.pallas_call(
        _stage3_body,
        grid=grid,
        in_specs=[
            pl.BlockSpec((_NC, blk, _W), lambda i: (0, i, 0)),
            pl.BlockSpec((blk, _H), lambda i: (i, 0)),
            pl.BlockSpec((blk, _H), lambda i: (i, 0)),
            pl.BlockSpec((_MSG, _H), lambda i: (0, 0)),
            pl.BlockSpec((_MSG, _H), lambda i: (0, 0)),
            pl.BlockSpec((1, _H), lambda i: (0, 0)),
            pl.BlockSpec((_H, 3 * _H), lambda i: (0, 0)),
            pl.BlockSpec((_H, 3 * _H), lambda i: (0, 0)),
            pl.BlockSpec((1, 3 * _H), lambda i: (0, 0)),
            pl.BlockSpec((_H, 3 * _H), lambda i: (0, 0)),
            pl.BlockSpec((1, 3 * _H), lambda i: (0, 0)),
        ],
        out_specs=pl.BlockSpec((blk, _H), lambda i: (i, 0)),
        out_shape=jax.ShapeDtypeStruct((_N, _H), jnp.float32),
    )(partials, feat, h, wp, wn, bdec, wx, wd, bih, whh, bhh)


@functools.lru_cache(maxsize=1)
def _gumbel_diff():
    g = jax.random.gumbel(jax.random.key(42), (_E, _MSG, 2), jnp.float32)
    return g[:, :, 0] - g[:, :, 1]


def kernel(feat, h, edge_index, W_enc, b_enc, W_dec, b_dec, W_ih, W_hh, b_ih, b_hh):
    wd_full = W_enc[0::2, :] - W_enc[1::2, :]
    zpad = jnp.zeros((_H, _MSG), jnp.float32)
    wa = jnp.concatenate([wd_full[:, :_H].T, zpad], axis=1)
    wb = jnp.concatenate([wd_full[:, _H:].T, zpad], axis=1)
    bd = jnp.concatenate([b_enc[0::2] - b_enc[1::2],
                          jnp.zeros((_MSG,), jnp.float32)]).reshape(1, _W)

    wp = W_dec[:, 0::2].T
    wn = W_dec[:, 1::2].T
    bdec = b_dec.reshape(1, 2 * _MSG)
    wx = W_ih[:, :_H].T
    wdc = W_ih[:, _H:].T
    bih = b_ih.reshape(1, 3 * _H)
    whh = W_hh.T
    bhh = b_hh.reshape(1, 3 * _H)

    src = edge_index[0]
    dst = edge_index[1]
    gd = _gumbel_diff()

    r = _stage1(feat, h, wa, wb, bd)
    partials = _stage2(r, src, dst, gd)
    h_new = _stage3(partials, feat, h, wp, wn, bdec, wx, wdc, bih, whh, bhh)
    return (h_new, h_new)

# --- scband reference (transcript-rebuilt; emitter-appended) ---
"""Pipeline reference for scband-discrete-communication-88837103551524 (READ-ONLY COPY).

The authoritative reference and input builder live on the scoring server;
editing this copy changes nothing except your own understanding.
"""

import jax, jax.numpy as jnp
import numpy as np

N = 10000
E = 320000
H = 128
MSG = 64


def setup_inputs(seed: int = 0) -> dict:
    key = jax.random.key(seed)
    ks = jax.random.split(key, 12)
    feat = jax.random.normal(ks[0], (N, H), dtype=jnp.float32)
    h = jax.random.normal(ks[1], (N, H), dtype=jnp.float32)
    edge_index = jax.random.randint(ks[2], (2, E), 0, N, dtype=jnp.int32)
    s = 0.05
    W_enc = jax.random.normal(ks[3], (2 * MSG, 2 * H), dtype=jnp.float32) * s
    b_enc = jax.random.normal(ks[4], (2 * MSG,), dtype=jnp.float32) * s
    W_dec = jax.random.normal(ks[5], (2 * MSG, 2 * MSG), dtype=jnp.float32) * s
    b_dec = jax.random.normal(ks[6], (2 * MSG,), dtype=jnp.float32) * s
    W_ih = jax.random.normal(ks[7], (3 * H, H + 2 * MSG), dtype=jnp.float32) * s
    W_hh = jax.random.normal(ks[8], (3 * H, H), dtype=jnp.float32) * s
    b_ih = jax.random.normal(ks[9], (3 * H,), dtype=jnp.float32) * s
    b_hh = jax.random.normal(ks[10], (3 * H,), dtype=jnp.float32) * s
    return {"feat": feat, "h": h, "edge_index": edge_index,
            "W_enc": W_enc, "b_enc": b_enc, "W_dec": W_dec, "b_dec": b_dec,
            "W_ih": W_ih, "W_hh": W_hh, "b_ih": b_ih, "b_hh": b_hh}


def reference(feat, h, edge_index, W_enc, b_enc, W_dec, b_dec, W_ih, W_hh, b_ih, b_hh):
    src = edge_index[0]
    dst = edge_index[1]
    # msg_func: gather src features and DETACHED src hidden states (gather)
    x_src = jnp.take(feat, src, axis=0)
    h_src = jnp.take(jax.lax.stop_gradient(h), src, axis=0)
    logits = jnp.concatenate([x_src, h_src], axis=1) @ W_enc.T + b_enc
    logits = logits.reshape(-1, MSG, 2)
    # gumbel_softmax(tau=0.5, hard=True), fixed noise key for determinism
    g = jax.random.gumbel(jax.random.key(42), logits.shape, dtype=logits.dtype)
    y_soft = jax.nn.softmax((logits + g) / 0.5, axis=-1)
    idx = jnp.argmax(y_soft, axis=-1)
    y_hard = jax.nn.one_hot(idx, 2, dtype=y_soft.dtype)
    disc_msg = jax.lax.stop_gradient(y_hard - y_soft) + y_soft  # straight-through
    msg = disc_msg.reshape(-1, 2 * MSG)
    # aggr_func: elementwise max over incoming messages (segment max scatter)
    c = jax.ops.segment_max(msg, dst, num_segments=N)
    c = jnp.where(jnp.isfinite(c), c, 0.0)  # nodes with no in-edges get zeros
    # update: GRUCell(cat(x, f_dec(c)), h)
    dec = c @ W_dec.T + b_dec
    gru_in = jnp.concatenate([feat, dec], axis=1)
    gi = gru_in @ W_ih.T + b_ih
    gh = h @ W_hh.T + b_hh
    i_r, i_z, i_n = jnp.split(gi, 3, axis=1)
    h_r, h_z, h_n = jnp.split(gh, 3, axis=1)
    r = jax.nn.sigmoid(i_r + h_r)
    z = jax.nn.sigmoid(i_z + h_z)
    n = jnp.tanh(i_n + r * h_n)
    h_new = (1.0 - z) * n + z * h
    return (h_new, h_new)

if __name__ == "__main__":
    import jax
    _d = setup_inputs()
    print(jax.jit(kernel)(*tuple(_d.values())))

</pallas_src>

<mosaic_0001>
#map = affine_map<(d0, d1) -> (0, 0)>
#map1 = affine_map<(d0, d1) -> (0)>
#map2 = affine_map<(d0, d1) -> (0, 0, 0)>
module attributes {stable_mosaic.version = 14 : i64} {
  func.func @_sc_body(%arg0: i32, %arg1: i32, %arg2: memref<10000x128xf32, #tpu.memory_space<hbm>>, %arg3: memref<320000xi32, #tpu.memory_space<hbm>>, %arg4: memref<320000xi32, #tpu.memory_space<hbm>>, %arg5: memref<320000x64xf32, #tpu.memory_space<hbm>>, %arg6: memref<2x10240x128xf32, #tpu.memory_space<hbm>>, %arg7: memref<80xi32, #tpu.memory_space<vmem>>, %arg8: memref<80xi32, #tpu.memory_space<vmem>>, %arg9: memref<80x128xf32, #tpu.memory_space<vmem>>, %arg10: memref<80x64xf32, #tpu.memory_space<vmem>>, %arg11: memref<80x128xf32, #tpu.memory_space<vmem>>, %arg12: memref<128x128xf32, #tpu.memory_space<vmem>>, %arg13: memref<!tpu.dma_semaphore, #tpu.memory_space<semaphore_mem>>, %arg14: memref<10240x128xf32, #tpu.memory_space<vmem_shared>>) attributes {dimension_semantics = [#tpu.dimension_semantics<core_parallel>, #tpu.dimension_semantics<subcore_parallel>], iteration_bounds = array<i64: 2, 16>, scalar_prefetch = 0 : i64, scratch_operands = 8 : i64, tpu.core_type = #tpu.core_type<sc_vector_subcore>, window_params = [{transform_indices = #map}, {transform_indices = #map1}, {transform_indices = #map1}, {transform_indices = #map}, {transform_indices = #map2}]} {
    return
  }
}

module attributes {stable_mosaic.version = 14 : i64} {
  func.func @_stage1_body(%arg0: i32, %arg1: memref<2000x128xf32, #tpu.memory_space<vmem>>, %arg2: memref<2000x128xf32, #tpu.memory_space<vmem>>, %arg3: memref<128x128xf32, #tpu.memory_space<vmem>>, %arg4: memref<128x128xf32, #tpu.memory_space<vmem>>, %arg5: memref<1x128xf32, #tpu.memory_space<vmem>>, %arg6: memref<2000x128xf32, #tpu.memory_space<vmem>>) attributes {dimension_semantics = [#tpu.dimension_semantics<arbitrary>], iteration_bounds = array<i64: 5>, scalar_prefetch = 0 : i64, scratch_operands = 0 : i64, tpu.core_type = #tpu.core_type<tc>, window_params = [{transform_indices = @transform_0, window_bounds = array<i64: 2000, 128>}, {transform_indices = @transform_1, window_bounds = array<i64: 2000, 128>}, {pipeline_mode = #tpu.pipeline_mode<synchronous>, transform_indices = @transform_2, window_bounds = array<i64: 128, 128>}, {pipeline_mode = #tpu.pipeline_mode<synchronous>, transform_indices = @transform_3, window_bounds = array<i64: 128, 128>}, {pipeline_mode = #tpu.pipeline_mode<synchronous>, transform_indices = @transform_4, window_bounds = array<i64: 1, 128>}, {transform_indices = @transform_5, window_bounds = array<i64: 2000, 128>}]} {
    %get3A = arith.constant 0 : index
    %get3A_0 = arith.constant 0 : index
    %get3A_1 = vector.load %arg1[%get3A, %get3A_0] : memref<2000x128xf32, #tpu.memory_space<vmem>>, vector<2000x128xf32>
    %get3A_2 = arith.constant 0 : index
    %get3A_3 = arith.constant 0 : index
    %get3A_4 = vector.load %arg3[%get3A_2, %get3A_3] : memref<128x128xf32, #tpu.memory_space<vmem>>, vector<128x128xf32>
    %dot_general3A = arith.constant dense<0.000000e+00> : vector<2000x128xf32>
    %dot_general3A_5 = tpu.matmul %get3A_1, %get3A_4, %dot_general3A {dimension_numbers = #tpu.dot_dimension_numbers<[1], [0], [0], [1], [0, 0, 1, 1], [], []>, transpose_lhs_hint = false} : vector<2000x128xf32>, vector<128x128xf32>, vector<2000x128xf32> -> vector<2000x128xf32>
    %get3A_6 = arith.constant 0 : index
    %get3A_7 = arith.constant 0 : index
    %get3A_8 = vector.load %arg2[%get3A_6, %get3A_7] : memref<2000x128xf32, #tpu.memory_space<vmem>>, vector<2000x128xf32>
    %get3A_9 = arith.constant 0 : index
    %get3A_10 = arith.constant 0 : index
    %get3A_11 = vector.load %arg4[%get3A_9, %get3A_10] : memref<128x128xf32, #tpu.memory_space<vmem>>, vector<128x128xf32>
    %dot_general3A_12 = arith.constant dense<0.000000e+00> : vector<2000x128xf32>
    %dot_general3A_13 = tpu.matmul %get3A_8, %get3A_11, %dot_general3A_12 {dimension_numbers = #tpu.dot_dimension_numbers<[1], [0], [0], [1], [0, 0, 1, 1], [], []>, transpose_lhs_hint = false} : vector<2000x128xf32>, vector<128x128xf32>, vector<2000x128xf32> -> vector<2000x128xf32>
    %add3A = arith.addf %dot_general3A_5, %dot_general3A_13 : vector<2000x128xf32>
    %get3A_14 = arith.constant 0 : index
    %get3A_15 = arith.constant 0 : index
    %get3A_16 = vector.load %arg5[%get3A_14, %get3A_15] : memref<1x128xf32, #tpu.memory_space<vmem>>, vector<1x128xf32>
    %add3A_17 = vector.broadcast %get3A_16 : vector<1x128xf32> to vector<2000x128xf32>
    %add3A_18 = arith.addf %add3A, %add3A_17 : vector<2000x128xf32>
    %swap3A = arith.constant 0 : index
    %swap3A_19 = arith.constant 0 : index
    %swap3A_20 = vector.load %arg6[%swap3A, %swap3A_19] : memref<2000x128xf32, #tpu.memory_space<vmem>>, vector<2000x128xf32>
    tpu.vector_store %arg6[%swap3A, %swap3A_19], %add3A_18 {strides = array<i32>} : memref<2000x128xf32, #tpu.memory_space<vmem>>, vector<2000x128xf32>,
    return
  }
  func.func @transform_0(%arg0: i32) -> (i32, i32) {
    %c0_i32 = arith.constant 0 : i32
    %c0_i32_0 = arith.constant 0 : i32
    return %arg0, %c0_i32 : i32, i32
  }
  func.func @transform_1(%arg0: i32) -> (i32, i32) {
    %c0_i32 = arith.constant 0 : i32
    %c0_i32_0 = arith.constant 0 : i32
    return %arg0, %c0_i32 : i32, i32
  }
  func.func @transform_2(%arg0: i32) -> (i32, i32) {
    %c0_i32 = arith.constant 0 : i32
    %c0_i32_0 = arith.constant 0 : i32
    %c0_i32_1 = arith.constant 0 : i32
    return %c0_i32, %c0_i32_0 : i32, i32
  }
  func.func @transform_3(%arg0: i32) -> (i32, i32) {
    %c0_i32 = arith.constant 0 : i32
    %c0_i32_0 = arith.constant 0 : i32
    %c0_i32_1 = arith.constant 0 : i32
    return %c0_i32, %c0_i32_0 : i32, i32
  }
  func.func @transform_4(%arg0: i32) -> (i32, i32) {
    %c0_i32 = arith.constant 0 : i32
    %c0_i32_0 = arith.constant 0 : i32
    %c0_i32_1 = arith.constant 0 : i32
    return %c0_i32, %c0_i32_0 : i32, i32
  }
  func.func @transform_5(%arg0: i32) -> (i32, i32) {
    %c0_i32 = arith.constant 0 : i32
    %c0_i32_0 = arith.constant 0 : i32
    return %arg0, %c0_i32 : i32, i32
  }
}

module attributes {stable_mosaic.version = 14 : i64} {
  func.func @_stage3_body(%arg0: i32, %arg1: memref<2x2000x128xf32, #tpu.memory_space<vmem>>, %arg2: memref<2000x128xf32, #tpu.memory_space<vmem>>, %arg3: memref<2000x128xf32, #tpu.memory_space<vmem>>, %arg4: memref<64x128xf32, #tpu.memory_space<vmem>>, %arg5: memref<64x128xf32, #tpu.memory_space<vmem>>, %arg6: memref<1x128xf32, #tpu.memory_space<vmem>>, %arg7: memref<128x384xf32, #tpu.memory_space<vmem>>, %arg8: memref<128x384xf32, #tpu.memory_space<vmem>>, %arg9: memref<1x384xf32, #tpu.memory_space<vmem>>, %arg10: memref<128x384xf32, #tpu.memory_space<vmem>>, %arg11: memref<1x384xf32, #tpu.memory_space<vmem>>, %arg12: memref<2000x128xf32, #tpu.memory_space<vmem>>) attributes {dimension_semantics = [#tpu.dimension_semantics<arbitrary>], iteration_bounds = array<i64: 5>, scalar_prefetch = 0 : i64, scratch_operands = 0 : i64, tpu.core_type = #tpu.core_type<tc>, window_params = [{transform_indices = @transform_0, window_bounds = array<i64: 2, 2000, 128>}, {transform_indices = @transform_1, window_bounds = array<i64: 2000, 128>}, {transform_indices = @transform_2, window_bounds = array<i64: 2000, 128>}, {pipeline_mode = #tpu.pipeline_mode<synchronous>, transform_indices = @transform_3, window_bounds = array<i64: 64, 128>}, {pipeline_mode = #tpu.pipeline_mode<synchronous>, transform_indices = @transform_4, window_bounds = array<i64: 64, 128>}, {pipeline_mode = #tpu.pipeline_mode<synchronous>, transform_indices = @transform_5, window_bounds = array<i64: 1, 128>}, {pipeline_mode = #tpu.pipeline_mode<synchronous>, transform_indices = @transform_6, window_bounds = array<i64: 128, 384>}, {pipeline_mode = #tpu.pipeline_mode<synchronous>, transform_indices = @transform_7, window_bounds = array<i64: 128, 384>}, {pipeline_mode = #tpu.pipeline_mode<synchronous>, transform_indices = @transform_8, window_bounds = array<i64: 1, 384>}, {pipeline_mode = #tpu.pipeline_mode<synchronous>, transform_indices = @transform_9, window_bounds = array<i64: 128, 384>}, {pipeline_mode = #tpu.pipeline_mode<synchronous>, transform_indices = @transform_10, window_bounds = array<i64: 1, 384>}, {transform_indices = @transform_11, window_bounds = array<i64: 2000, 128>}]} {
    %get3A = arith.constant 0 : index
    %get3A_0 = arith.constant 0 : index
    %get3A_1 = arith.constant 0 : index
    %get3A_2 = vector.load %arg1[%get3A, %get3A_0, %get3A_1] : memref<2x2000x128xf32, #tpu.memory_space<vmem>>, vector<1x2000x128xf32>
    %get3A_3 = vector.shape_cast %get3A_2 : vector<1x2000x128xf32> to vector<2000x128xf32>
    %get3A_4 = arith.constant 1 : index
    %get3A_5 = arith.constant 0 : index
    %get3A_6 = arith.constant 0 : index
    %get3A_7 = vector.load %arg1[%get3A_4, %get3A_5, %get3A_6] : memref<2x2000x128xf32, #tpu.memory_space<vmem>>, vector<1x2000x128xf32>
    %get3A_8 = vector.shape_cast %get3A_7 : vector<1x2000x128xf32> to vector<2000x128xf32>
    %add3A = arith.addf %get3A_3, %get3A_8 : vector<2000x128xf32>
    %slice3A = vector.extract_strided_slice %add3A {offsets = [0, 0], sizes = [2000, 64], strides = [1, 1]} : vector<2000x128xf32> to vector<2000x64xf32>
    %gt3A = arith.constant 0.000000e+00 : f32
    %gt3A_9 = vector.broadcast %gt3A : f32 to vector<2000x64xf32>
    %gt3A_10 = arith.cmpf ogt, %slice3A, %gt3A_9 : vector<2000x64xf32>
    %jit3A = arith.constant 1.000000e+00 : f32
    %jit3A_11 = arith.constant 0.000000e+00 : f32
    %broadcast_in_dim3A = vector.broadcast %jit3A : f32 to vector<2000x64xf32>
    %broadcast_in_dim3A_12 = vector.broadcast %jit3A_11 : f32 to vector<2000x64xf32>
    %select_n3A = arith.select %gt3A_10, %broadcast_in_dim3A, %broadcast_in_dim3A_12 : vector<2000x64xi1>, vector<2000x64xf32>
    %slice3A_13 = vector.extract_strided_slice %add3A {offsets = [0, 64], sizes = [2000, 64], strides = [1, 1]} : vector<2000x128xf32> to vector<2000x64xf32>
    %gt3A_14 = arith.constant 0.000000e+00 : f32
    %gt3A_15 = vector.broadcast %gt3A_14 : f32 to vector<2000x64xf32>
    %gt3A_16 = arith.cmpf ogt, %slice3A_13, %gt3A_15 : vector<2000x64xf32>
    %jit3A_17 = arith.constant 1.000000e+00 : f32
    %jit3A_18 = arith.constant 0.000000e+00 : f32
    %broadcast_in_dim3A_19 = vector.broadcast %jit3A_17 : f32 to vector<2000x64xf32>
    %broadcast_in_dim3A_20 = vector.broadcast %jit3A_18 : f32 to vector<2000x64xf32>
    %select_n3A_21 = arith.select %gt3A_16, %broadcast_in_dim3A_19, %broadcast_in_dim3A_20 : vector<2000x64xi1>, vector<2000x64xf32>
    %get3A_22 = arith.constant 0 : index
    %get3A_23 = arith.constant 0 : index
    %get3A_24 = vector.load %arg4[%get3A_22, %get3A_23] : memref<64x128xf32, #tpu.memory_space<vmem>>, vector<64x128xf32>
    %dot_general3A = arith.constant dense<0.000000e+00> : vector<2000x128xf32>
    %dot_general3A_25 = tpu.matmul %select_n3A, %get3A_24, %dot_general3A {dimension_numbers = #tpu.dot_dimension_numbers<[1], [0], [0], [1], [0, 0, 1, 1], [], []>, transpose_lhs_hint = false} : vector<2000x64xf32>, vector<64x128xf32>, vector<2000x128xf32> -> vector<2000x128xf32>
    %get3A_26 = arith.constant 0 : index
    %get3A_27 = arith.constant 0 : index
    %get3A_28 = vector.load %arg5[%get3A_26, %get3A_27] : memref<64x128xf32, #tpu.memory_space<vmem>>, vector<64x128xf32>
    %dot_general3A_29 = arith.constant dense<0.000000e+00> : vector<2000x128xf32>
    %dot_general3A_30 = tpu.matmul %select_n3A_21, %get3A_28, %dot_general3A_29 {dimension_numbers = #tpu.dot_dimension_numbers<[1], [0], [0], [1], [0, 0, 1, 1], [], []>, transpose_lhs_hint = false} : vector<2000x64xf32>, vector<64x128xf32>, vector<2000x128xf32> -> vector<2000x128xf32>
    %add3A_31 = arith.addf %dot_general3A_25, %dot_general3A_30 : vector<2000x128xf32>
    %get3A_32 = arith.constant 0 : index
    %get3A_33 = arith.constant 0 : index
    %get3A_34 = vector.load %arg6[%get3A_32, %get3A_33] : memref<1x128xf32, #tpu.memory_space<vmem>>, vector<1x128xf32>
    %add3A_35 = vector.broadcast %get3A_34 : vector<1x128xf32> to vector<2000x128xf32>
    %add3A_36 = arith.addf %add3A_31, %add3A_35 : vector<2000x128xf32>
    %get3A_37 = arith.constant 0 : index
    %get3A_38 = arith.constant 0 : index
    %get3A_39 = vector.load %arg2[%get3A_37, %get3A_38] : memref<2000x128xf32, #tpu.memory_space<vmem>>, vector<2000x128xf32>
    %get3A_40 = arith.constant 0 : index
    %get3A_41 = arith.constant 0 : index
    %get3A_42 = vector.load %arg7[%get3A_40, %get3A_41] : memref<128x384xf32, #tpu.memory_space<vmem>>, vector<128x384xf32>
    %dot_general3A_43 = arith.constant dense<0.000000e+00> : vector<2000x384xf32>
    %dot_general3A_44 = tpu.matmul %get3A_39, %get3A_42, %dot_general3A_43 {dimension_numbers = #tpu.dot_dimension_numbers<[1], [0], [0], [1], [0, 0, 1, 1], [], []>, transpose_lhs_hint = false} : vector<2000x128xf32>, vector<128x384xf32>, vector<2000x384xf32> -> vector<2000x384xf32>
    %get3A_45 = arith.constant 0 : index
    %get3A_46 = arith.constant 0 : index
    %get3A_47 = vector.load %arg8[%get3A_45, %get3A_46] : memref<128x384xf32, #tpu.memory_space<vmem>>, vector<128x384xf32>
    %dot_general3A_48 = arith.constant dense<0.000000e+00> : vector<2000x384xf32>
    %dot_general3A_49 = tpu.matmul %add3A_36, %get3A_47, %dot_general3A_48 {dimension_numbers = #tpu.dot_dimension_numbers<[1], [0], [0], [1], [0, 0, 1, 1], [], []>, transpose_lhs_hint = false} : vector<2000x128xf32>, vector<128x384xf32>, vector<2000x384xf32> -> vector<2000x384xf32>
    %add3A_50 = arith.addf %dot_general3A_44, %dot_general3A_49 : vector<2000x384xf32>
    %get3A_51 = arith.constant 0 : index
    %get3A_52 = arith.constant 0 : index
    %get3A_53 = vector.load %arg9[%get3A_51, %get3A_52] : memref<1x384xf32, #tpu.memory_space<vmem>>, vector<1x384xf32>
    %add3A_54 = vector.broadcast %get3A_53 : vector<1x384xf32> to vector<2000x384xf32>
    %add3A_55 = arith.addf %add3A_50, %add3A_54 : vector<2000x384xf32>
    %get3A_56 = arith.constant 0 : index
    %get3A_57 = arith.constant 0 : index
    %get3A_58 = vector.load %arg3[%get3A_56, %get3A_57] : memref<2000x128xf32, #tpu.memory_space<vmem>>, vector<2000x128xf32>
    %get3A_59 = arith.constant 0 : index
    %get3A_60 = arith.constant 0 : index
    %get3A_61 = vector.load %arg10[%get3A_59, %get3A_60] : memref<128x384xf32, #tpu.memory_space<vmem>>, vector<128x384xf32>
    %dot_general3A_62 = arith.constant dense<0.000000e+00> : vector<2000x384xf32>
    %dot_general3A_63 = tpu.matmul %get3A_58, %get3A_61, %dot_general3A_62 {dimension_numbers = #tpu.dot_dimension_numbers<[1], [0], [0], [1], [0, 0, 1, 1], [], []>, transpose_lhs_hint = false} : vector<2000x128xf32>, vector<128x384xf32>, vector<2000x384xf32> -> vector<2000x384xf32>
    %get3A_64 = arith.constant 0 : index
    %get3A_65 = arith.constant 0 : index
    %get3A_66 = vector.load %arg11[%get3A_64, %get3A_65] : memref<1x384xf32, #tpu.memory_space<vmem>>, vector<1x384xf32>
    %add3A_67 = vector.broadcast %get3A_66 : vector<1x384xf32> to vector<2000x384xf32>
    %add3A_68 = arith.addf %dot_general3A_63, %add3A_67 : vector<2000x384xf32>
    %slice3A_69 = vector.extract_strided_slice %add3A_55 {offsets = [0, 0], sizes = [2000, 128], strides = [1, 1]} : vector<2000x384xf32> to vector<2000x128xf32>
    %slice3A_70 = vector.extract_strided_slice %add3A_68 {offsets = [0, 0], sizes = [2000, 128], strides = [1, 1]} : vector<2000x384xf32> to vector<2000x128xf32>
    %add3A_71 = arith.addf %slice3A_69, %slice3A_70 : vector<2000x128xf32>
    %logistic3A = arith.negf %add3A_71 : vector<2000x128xf32>
    %logistic3A_72 = math.exp %logistic3A : vector<2000x128xf32>
    %logistic3A_73 = arith.constant 1.000000e+00 : f32
    %logistic3A_74 = vector.broadcast %logistic3A_73 : f32 to vector<2000x128xf32>
    %logistic3A_75 = arith.addf %logistic3A_74, %logistic3A_72 : vector<2000x128xf32>
    %logistic3A_76 = arith.divf %logistic3A_74, %logistic3A_75 : vector<2000x128xf32>
    %slice3A_77 = vector.extract_strided_slice %add3A_55 {offsets = [0, 128], sizes = [2000, 128], strides = [1, 1]} : vector<2000x384xf32> to vector<2000x128xf32>
    %slice3A_78 = vector.extract_strided_slice %add3A_68 {offsets = [0, 128], sizes = [2000, 128], strides = [1, 1]} : vector<2000x384xf32> to vector<2000x128xf32>
    %add3A_79 = arith.addf %slice3A_77, %slice3A_78 : vector<2000x128xf32>
    %logistic3A_80 = arith.negf %add3A_79 : vector<2000x128xf32>
    %logistic3A_81 = math.exp %logistic3A_80 : vector<2000x128xf32>
    %logistic3A_82 = arith.constant 1.000000e+00 : f32
    %logistic3A_83 = vector.broadcast %logistic3A_82 : f32 to vector<2000x128xf32>
    %logistic3A_84 = arith.addf %logistic3A_83, %logistic3A_81 : vector<2000x128xf32>
    %logistic3A_85 = arith.divf %logistic3A_83, %logistic3A_84 : vector<2000x128xf32>
    %slice3A_86 = vector.extract_strided_slice %add3A_55 {offsets = [0, 256], sizes = [2000, 128], strides = [1, 1]} : vector<2000x384xf32> to vector<2000x128xf32>
    %slice3A_87 = vector.extract_strided_slice %add3A_68 {offsets = [0, 256], sizes = [2000, 128], strides = [1, 1]} : vector<2000x384xf32> to vector<2000x128xf32>
    %mul3A = arith.mulf %logistic3A_76, %slice3A_87 : vector<2000x128xf32>
    %add3A_88 = arith.addf %slice3A_86, %mul3A : vector<2000x128xf32>
    %tanh3A = math.tanh %add3A_88 : vector<2000x128xf32>
    %sub3A = arith.constant 1.000000e+00 : f32
    %sub3A_89 = vector.broadcast %sub3A : f32 to vector<2000x128xf32>
    %sub3A_90 = arith.subf %sub3A_89, %logistic3A_85 : vector<2000x128xf32>
    %mul3A_91 = arith.mulf %sub3A_90, %tanh3A : vector<2000x128xf32>
    %get3A_92 = arith.constant 0 : index
    %get3A_93 = arith.constant 0 : index
    %get3A_94 = vector.load %arg3[%get3A_92, %get3A_93] : memref<2000x128xf32, #tpu.memory_space<vmem>>, vector<2000x128xf32>
    %mul3A_95 = arith.mulf %logistic3A_85, %get3A_94 : vector<2000x128xf32>
    %add3A_96 = arith.addf %mul3A_91, %mul3A_95 : vector<2000x128xf32>
    %swap3A = arith.constant 0 : index
    %swap3A_97 = arith.constant 0 : index
    %swap3A_98 = vector.load %arg12[%swap3A, %swap3A_97] : memref<2000x128xf32, #tpu.memory_space<vmem>>, vector<2000x128xf32>
    tpu.vector_store %arg12[%swap3A, %swap3A_97], %add3A_96 {strides = array<i32>} : memref<2000x128xf32, #tpu.memory_space<vmem>>, vector<2000x128xf32>,
    return
  }
  func.func @transform_0(%arg0: i32) -> (i32, i32, i32) {
    %c0_i32 = arith.constant 0 : i32
    %c0_i32_0 = arith.constant 0 : i32
    %c0_i32_1 = arith.constant 0 : i32
    return %c0_i32, %arg0, %c0_i32_0 : i32, i32, i32
  }
  func.func @transform_1(%arg0: i32) -> (i32, i32) {
    %c0_i32 = arith.constant 0 : i32
    %c0_i32_0 = arith.constant 0 : i32
    return %arg0, %c0_i32 : i32, i32
  }
  func.func @transform_2(%arg0: i32) -> (i32, i32) {
    %c0_i32 = arith.constant 0 : i32
    %c0_i32_0 = arith.constant 0 : i32
    return %arg0, %c0_i32 : i32, i32
  }
  func.func @transform_3(%arg0: i32) -> (i32, i32) {
    %c0_i32 = arith.constant 0 : i32
    %c0_i32_0 = arith.constant 0 : i32
    %c0_i32_1 = arith.constant 0 : i32
    return %c0_i32, %c0_i32_0 : i32, i32
  }
  func.func @transform_4(%arg0: i32) -> (i32, i32) {
    %c0_i32 = arith.constant 0 : i32
    %c0_i32_0 = arith.constant 0 : i32
    %c0_i32_1 = arith.constant 0 : i32
    return %c0_i32, %c0_i32_0 : i32, i32
  }
  func.func @transform_5(%arg0: i32) -> (i32, i32) {
    %c0_i32 = arith.constant 0 : i32
    %c0_i32_0 = arith.constant 0 : i32
    %c0_i32_1 = arith.constant 0 : i32
    return %c0_i32, %c0_i32_0 : i32, i32
  }
  func.func @transform_6(%arg0: i32) -> (i32, i32) {
    %c0_i32 = arith.constant 0 : i32
    %c0_i32_0 = arith.constant 0 : i32
    %c0_i32_1 = arith.constant 0 : i32
    return %c0_i32, %c0_i32_0 : i32, i32
  }
  func.func @transform_7(%arg0: i32) -> (i32, i32) {
    %c0_i32 = arith.constant 0 : i32
    %c0_i32_0 = arith.constant 0 : i32
    %c0_i32_1 = arith.constant 0 : i32
    return %c0_i32, %c0_i32_0 : i32, i32
  }
  func.func @transform_8(%arg0: i32) -> (i32, i32) {
    %c0_i32 = arith.constant 0 : i32
    %c0_i32_0 = arith.constant 0 : i32
    %c0_i32_1 = arith.constant 0 : i32
    return %c0_i32, %c0_i32_0 : i32, i32
  }
  func.func @transform_9(%arg0: i32) -> (i32, i32) {
    %c0_i32 = arith.constant 0 : i32
    %c0_i32_0 = arith.constant 0 : i32
    %c0_i32_1 = arith.constant 0 : i32
    return %c0_i32, %c0_i32_0 : i32, i32
  }
  func.func @transform_10(%arg0: i32) -> (i32, i32) {
    %c0_i32 = arith.constant 0 : i32
    %c0_i32_0 = arith.constant 0 : i32
    %c0_i32_1 = arith.constant 0 : i32
    return %c0_i32, %c0_i32_0 : i32, i32
  }
  func.func @transform_11(%arg0: i32) -> (i32, i32) {
    %c0_i32 = arith.constant 0 : i32
    %c0_i32_0 = arith.constant 0 : i32
    return %arg0, %c0_i32 : i32, i32
  }
}

</mosaic_0001>

<sc_bundles>
// kernel: kernel.5.cloned.1.call-start
scs
__scs_entry_jumppad:
0x0: {  	(pc) =	sbr.rel $0x88, $3  }
0x1: {  	(tag) =	ssettag $0x0;
	lr =	simm.s32 $0x1  }
0x2: {  	[smem:$0x3F96] =	sst lr;
	_ =	strace $0xD0000000  }
0x3: {  	_ = 	snop  }
0x4: {  	_ = 	snop  }
0x5: {  	_ = 	snop  }
0x6: {  	_ = 	snop  }
0x7: {  	_ = 	snop  }
__scs_overlays_trampoline_lowered:
0x8: {  	[smem:$0x3FA5] =	sst s0  }
0x9: {  	[smem:$0x3FA6] =	sst s1  }
0xa: {  	[smem:$0x3FA7] =	sst s2  }
0xb: {  	[smem:$0x3FA8] =	sst s3  }
0xc: {  	[smem:$0x3FA9] =	sst s4  }
0xd: {  	[smem:$0x3FAA] =	sst s5  }
0xe: {  	[smem:$0x3FAB] =	sst s6  }
0xf: {  	[smem:$0x3FAC] =	sst s7  }
0x10: {  	[smem:$0x3FAD] =	sst s8  }
0x11: {  	[smem:$0x3FAE] =	sst s9;
	s0 =	simm.s32 @!p0 $0x0  }
0x12: {  	s1 =	sld [smem:$0x3F94];
	s0 =	simm.s32 @p0 $0x1  }
0x13: {  	[smem:$0x3FAF] =	sst s0;
	s0 =	simm.s32 @!p1 $0x0  }
0x14: {  	s2 =	sld [smem:$0x3F93];
	s0 =	simm.s32 @p1 $0x1  }
0x15: {  	[smem:$0x3FB0] =	sst s0;
	s0 =	simm.s32 @!p2 $0x0  }
0x16: {  	s3 =	sld [smem:$0x3FDB];
	s0 =	simm.s32 @p2 $0x1  }
0x17: {  	s4 =	simm.s32 $0x1BF5;
	[smem:$0x3FB2] =	sst s0  }
0x18: {  	s0 =	sld [smem:$0x3F95];
	_ =	swait.ge [sflag:s4], $0x0  }
0x19: {  	s7 =	sld [smem:$0x3F96]  }
0x1a: {  	s8 =	sadd.s32 $0xFFFFE003, lr  }
0x1b: {  	s9 =	sadd.s32 $0xFFFFFEF7, lr;
	s5 =	simm.s32 $0xFFFFFFFF;
	p2 =	slt.u32 s8, $0xFFFFF086  }
0x1c: {  	p1 =	slt.u32 s9, $0xF7A;
	s5 =	simm.s32 @!p2 $0x0  }
0x1d: {  	s5 =	simm.s32 @p1 $0x1;
	p0 =	seq.s32 s7, s2  }
0x1e: {  	s7 =	smul.u32 @!p0 $0xF7A, s2;
	p2 =	seq.s32 @!p0 s5, $0x0  }
0x1f: {  	s9 =	smul.u32 $0xF7A, s1;
	s8 =	simm.s32 @!p0 $0x1BF5;
	p2 =	por !p2, p0  }
0x20: {  	[sflag:s8] =	ssyncset.s32 @!p0 $0xFFFFF086;
	s6 =	sadd.s32 @!p0 s3, s7;
	s7 =	simm.s32 @!p0 $0x108  }
0x21: {  	s3 =	sadd.s32 s3, s9;
	s6 =	sadd.s32 @!p0 $0x88, s6;
	s7 =	simm.s32 @p2 $0x1082  }
0x22: {  	[simem:s7], [sflag:s8] =	dma.local @!p0 [hbm:s6], $0xF7A  }
0x23: {  	s9 =	sor.u32 $0xD0000000, s2;
	s6 =	simm.s32 $0x108;
	_ =	swait.ge @!p0 [sflag:s8], $0x0  }
0x24: {  	s3 =	sadd.s32 $0x88, s3;
	s6 =	simm.s32 @!p1 $0x1082;
	[sflag:s4] =	ssyncset.s32 $0xFFFFF086  }
0x25: {  	[simem:s6], [sflag:s4] =	dma.local [hbm:s3], $0xF7A  }
0x26: {  	[smem:$0x3F96] =	sst s1;
	(tag) =	ssettag s2;
	_ =	strace s9  }
0x27: {  	s1 =	sld [smem:$0x3FA6]  }
0x28: {  	s2 =	sld [smem:$0x3FA7]  }
0x29: {  	s4 =	sld [smem:$0x3FA9]  }
0x2a: {  	p0 =	seq.s32 s5, $0x0;
	s5 =	sld [smem:$0x3FAA]  }
0x2b: {  	s6 =	sld [smem:$0x3FAB]  }
0x2c: {  	s7 =	sld [smem:$0x3FAC]  }
0x2d: {  	s3 =	simm.s32 $0x108;
	s8 =	sld [smem:$0x3FAD]  }
0x2e: {  	s3 =	simm.s32 @!p0 $0x1082;
	s9 =	sld [smem:$0x3FAE]  }
0x2f: {  	lr =	sadd.s32 s0, s3;
	s0 =	sld [smem:$0x3FA5]  }
0x30: {  	s3 =	sld [smem:$0x3FA8]  }
0x31: {  	[smem:$0x3FB1] =	sst s10  }
0x32: {  	s10 =	sld [smem:$0x3FAF];
	_ =	sdelay $0x3  }
0x33: {  	p0 =	seq.s32 s10, $0x1;
	s10 =	sld [smem:$0x3FB1];
	_ =	sdelay $0x3  }
0x34: {  	[smem:$0x3FB1] =	sst s10  }
0x35: {  	s10 =	sld [smem:$0x3FB0];
	_ =	sdelay $0x3  }
0x36: {  	p1 =	seq.s32 s10, $0x1;
	s10 =	sld [smem:$0x3FB1];
	_ =	sdelay $0x3  }
0x37: {  	[smem:$0x3FB1] =	sst s10  }
0x38: {  	s10 =	sld [smem:$0x3FB2]  }
0x39: {  	_ = 	snop;
	(pc) =	sbr.ind lr, $3  }
0x3a: {  	_ = 	snop  }
0x3b: {  	_ = 	snop  }
0x3c: {  	p2 =	seq.s32 s10, $0x1;
	s10 =	sld [smem:$0x3FB1]  }
0x3d: {  	_ =	shalt  }
0x3e: {  	_ =	shalt  }
0x3f: {  	_ =	shalt  }
0x40: {  	_ =	shalt  }
0x41: {  	_ =	shalt  }
0x42: {  	_ =	shalt  }
0x43: {  	_ =	shalt  }
0x44: {  	_ =	shalt  }
0x45: {  	_ =	shalt  }
0x46: {  	_ =	shalt  }
0x47: {  	_ =	shalt  }
0x48: {  	_ =	shalt  }
0x49: {  	_ =	shalt  }
0x4a: {  	_ =	shalt  }
0x4b: {  	_ =	shalt  }
0x4c: {  	_ =	shalt  }
0x4d: {  	_ =	shalt  }
0x4e: {  	_ =	shalt  }
0x4f: {  	_ =	shalt  }
0x50: {  	_ =	shalt  }
0x51: {  	_ =	shalt  }
0x52: {  	_ =	shalt  }
0x53: {  	_ =	shalt  }
0x54: {  	_ =	shalt  }
0x55: {  	_ =	shalt  }
0x56: {  	_ =	shalt  }
0x57: {  	_ =	shalt  }
0x58: {  	_ =	shalt  }
0x59: {  	_ =	shalt  }
0x5a: {  	_ =	shalt  }
0x5b: {  	_ =	shalt  }
0x5c: {  	_ =	shalt  }
0x5d: {  	_ =	shalt  }
0x5e: {  	_ =	shalt  }
0x5f: {  	_ =	shalt  }
0x60: {  	_ =	shalt  }
0x61: {  	_ =	shalt  }
0x62: {  	_ =	shalt  }
0x63: {  	_ =	shalt  }
0x64: {  	_ =	shalt  }
0x65: {  	_ =	shalt  }
0x66: {  	_ =	shalt  }
0x67: {  	_ =	shalt  }
0x68: {  	_ =	shalt  }
0x69: {  	_ =	shalt  }
0x6a: {  	_ =	shalt  }
0x6b: {  	_ =	shalt  }
0x6c: {  	_ =	shalt  }
0x6d: {  	_ =	shalt  }
0x6e: {  	_ =	shalt  }
0x6f: {  	_ =	shalt  }
0x70: {  	_ =	shalt  }
0x71: {  	_ =	shalt  }
0x72: {  	_ =	shalt  }
0x73: {  	_ =	shalt  }
0x74: {  	_ =	shalt  }
0x75: {  	_ =	shalt  }
0x76: {  	_ =	shalt  }
0x77: {  	_ =	shalt  }
0x78: {  	_ =	shalt  }
0x79: {  	_ =	shalt  }
0x7a: {  	_ =	shalt  }
0x7b: {  	_ =	shalt  }
0x7c: {  	_ =	shalt  }
0x7d: {  	_ =	shalt  }
0x7e: {  	_ =	shalt  }
0x7f: {  	_ =	shalt  }
0x80: {  	_ =	shalt  }
0x81: {  	_ =	shalt  }
0x82: {  	_ =	shalt  }
0x83: {  	_ =	shalt  }
0x84: {  	_ =	shalt  }
0x85: {  	_ =	shalt  }
0x86: {  	_ =	shalt  }
0x87: {  	_ =	shalt  }
.Lfunc_end0:
.L_simem_size_0:
called_computation_lowered:
.L_overlay_start_0:
0x88: {  	s1 =	sld [smem:$0x3FD9]  }
0x89: {  	s2 =	sld [smem:$0x3FFE];
	_ =	sdelay $0x1  }
0x8a: {  	s3 =	srdreg.scid  }
0x8b: {  	s0 =	sand.u32 $0x1, s3  }
0x8c: {  	s17 =	sshll.u32 s0, $0xA;
	s1 =	sadd.s32 s2, s1  }
0x8d: {  	s1 =	sadd.s32 s1, s17  }
0x8e: {  	[smem:$0x3FBD] =	sst s1  }
0x8f: {  	_ = 	snop  }
0x90: {  	(tm) =	ssettm $0x1  }
0x91: {  	s18 =	sld [smem:$0x3FFB];
	_ =	sdelay $0x3  }
0x92: {  	_ =	strace s18  }
0x93: {  	s1 =	sld [smem:$0x3FFC];
	_ =	sdelay $0x3  }
0x94: {  	_ =	strace s1  }
0x95: {  	s1 =	sld [smem:$0x3FFD];
	_ =	sdelay $0x3  }
0x96: {  	_ =	strace s1  }
0x97: {  	_ =	strace $0x8FFFFFFF  }
0x98: {  	s19 =	sld [smem:$0x3FDB];
	_ =	sdelay $0x1  }
0x99: {  	s20 =	simm.s32 $_scs_section_size  }
0x9a: {  	s4 =	simm.s32 $_size__tile_overlayer_lowered;
	s5 =	simm.s32 $_tile_overlayer_lowered  }
0x9b: {  	s23 =	simm.s32 $0x1BFF;
	s22 =	sshll.u32 s5, $0x1;
	s1 =	sadd.s32 s20, s19  }
0x9c: {  	s6 =	simm.s32 $0x0;
	s21 =	sshll.u32 s4, $0x1;
	s4 =	sadd.s32 s22, s1  }
0x9d: {  	[timem:s6], [sflag:s23] =	dma.local [hbm:s4], s21  }
0x9e: {  	_ =	swait.ge [sflag:s23], s21  }
0x9f: {  	s2 =	ssub.s32 $0x0, s21;
	[sflag:s23] =	ssyncset.done $0x0  }
0xa0: {  	[sflag:s23] =	ssyncadd.s32 s2;
	_ =	sdelay $0x1  }
0xa1: {  	s24 =	simm.s32 $0x1B8B  }
0xa2: {  	_ =	swait.ge [sflag:s24], $0x1  }
0xa3: {  	[sflag:s24] =	ssyncset.done $0x0  }
0xa4: {  	s25 =	simm.s32 $0x1B8E;
	[sflag:s24] =	ssyncadd.s32 $0xFFFFFFFF  }
0xa5: {  	s26 =	simm.s32 $execute0_lowered;
	[smem:$0x3FD2] =	sst s25  }
0xa6: {  	s2 =	sshll.u32 s26, $0x1;
	_ =	strace $0x80000046;
	[dreg:$0x1] =	wrdreg $0xFFFFFFFF  }
0xa7: {  	s28 =	simm.s32 $_size_execute0_lowered;
	s1 =	sadd.s32 s1, s2;
	[dreg:$0x0] =	wrdreg $0x0  }
0xa8: {  	s2 =	sshll.u32 s28, $0x1;
	[dreg:$0x2] =	wrdreg s1  }
0xa9: {  	[dreg:$0x3] =	wrdreg s2  }
0xaa: {  	[dreg:$0x4] =	wrdreg $0xC0  }
0xab: {  	_ =	task [dreg:s6], $0x5FFFF  }
0xac: {  	[dreg:$0x1] =	wrdreg $0xFFFFFFFF  }
0xad: {  	[dreg:$0x0] =	wrdreg $0x60  }
0xae: {  	[dreg:$0x2] =	wrdreg $0x9  }
0xaf: {  	_ =	task.clear_ibuf [dreg:s6], $0x3FFFF;
	_ =	strace $0x90000046  }
0xb0: {  	s29 =	simm.s32 $0x9;
	_ =	strace $0x80000048  }
0xb1: {  	_ =	swait.ge [sflag:s29], $0x1  }
0xb2: {  	[sflag:s29] =	ssyncadd.s32 $0xFFFFFFFF  }
0xb3: {  	_ =	strace $0x90000048  }
0xb4: {  	_ =	sfence  }
0xb5: {  	s30 =	sld [smem:$0x0];
	_ =	sdelay $0x2  }
0xb6: {  	s31 =	sshll.u32 s3, $0xD;
	s3 =	sshrl.u32 s3, $0x2  }
0xb7: {  	s2 =	sand.u32 $0x4000, s31;
	s1 =	sadd.s32 s3, s30  }
0xb8: {  	s0 =	sor.u32 s2, s0;
	s1 =	sshll.u32 s1, $0x11  }
0xb9: {  	s0 =	sor.u32 s1, s0  }
0xba: {  	s0 =	sadd.s32 $0x8F2B, s0  }
0xbb: {  	[sflag:s0] =	ssyncadd.remote.s32 $0x1  }
0xbc: {  	_ =	sfence.sel $0xFFFF  }
0xbd: {  	[dreg:$0x0] =	wrdreg $0xFFFFFFFF;
	(pc) =	sbr.abs _section_cstart, $3  }
0xbe: {  	[dreg:$0x1] =	wrdreg $0xFFFFFFFF  }
0xbf: {  	_ =	task.clear_ibuf [dreg:s6], $0x2FFFF;
	_ =	strace $0x9FFFFFFF  }
0xc0: {  	(tm) =	ssettm $0x7FFFFFFF  }
0xc1: {  	_ =	shalt  }
tec
execute0_lowered:
.L_overlay_start_1:
0x0: {  	(tag) =	ssettag $0x1  }
0x1: {  	s0 =	rddreg [dreg:$0x0];
	_ =	strace $0x80000047  }
0x2: {  	_ =	sfence.sel $0x180000  }
0x3: {  	s1 =	stileid.u32;
	[bflag:$0x0] =	sbarrier.arrive $0xFFFF  }
0x4: {  	p0 =	sne.s32 s1, $0x0;
	_ =	strace $0x90000047  }
0x5: {  	s0 =	sadd.s32 @!p0 $0x100000, s0;
	[bflag:$0x2] =	sbarrier.arrive $0xFFFF  }
0x6: {  	[sflag:s0] =	ssyncadd.tile.s32 @!p0 $0x1;
	_ =	shalt  }
.Lfunc_end2:
_tile_overlayer_lowered:
.L_overlay_start_2:
0x7: {  	(tag) =	ssettag $0x2  }
0x8: {  	s0 =	rddreg [dreg:$0x0];
	s2 =	stileid.u32  }
0x9: {  	s1 =	rddreg [dreg:$0x1];
	p0 =	sne.s32 s2, $0x0  }
0xa: {  	s3 =	rddreg [dreg:$0x2];
	[bflag:$0x3] =	sbarrier.arrive $0xFFFF;
	s2 =	simm.s32 @!p0 $0x1C01  }
0xb: {  	[timem:s3], [sflag:s2] =	dma.local @!p0 [hbm:s0], s1  }
0xc: {  	s0 =	simm.s32 @!p0 $0x1  }
0xd: {  	_ =	swait.ge @!p0 [sflag:s0], s1  }
0xe: {  	s1 =	ssub.s32 @!p0 $0x0, s1;
	[sflag:s0] =	ssyncset.done @!p0 $0x0  }
0xf: {  	[sflag:s0] =	ssyncadd.s32 @!p0 s1  }
0x10: {  	[bflag:$0x3] =	sbarrier.arrive $0xFFFF  }
0x11: {  	_ =	shalt  }

</sc_bundles>
